<compile_context>
chip_gen: v7x
topology: tpu7x:2x2x1
jax: 0.10.2.dev20260603
libtpu: 0.0.44.dev20260713+nightly
codegen_flags: <defaults>
</compile_context>

<pallas_src>
from functools import partial

import jax
import jax.numpy as jnp
from jax import lax
from jax.experimental import pallas as pl
from jax.experimental.pallas import tpu as pltpu
from jax.experimental.pallas import tpu_sc as plsc

_WINDOW = 128
_NUM_CORES = 2
_NUM_SUBCORES = 16
_NW = _NUM_CORES * _NUM_SUBCORES
_N = 100000
_BPW = 3128
_BPW_LAST = _N - (_NW - 1) * _BPW
_TAIL = _BPW - 24 * _WINDOW
_TAIL_LAST = _BPW_LAST - 23 * _WINDOW


def _gather_fn(embed_dim: int):
    mesh = plsc.VectorSubcoreMesh(core_axis_name="core", subcore_axis_name="subcore")

    @partial(
        pl.kernel,
        out_type=jax.ShapeDtypeStruct((_N, embed_dim), jnp.float32),
        mesh=mesh,
        scratch_types=[
            pltpu.VMEM((_BPW,), jnp.int32),
            pltpu.VMEM((_BPW, embed_dim), jnp.float32),
            pltpu.SemaphoreType.DMA,
            pltpu.SemaphoreType.DMA,
        ],
        compiler_params=pltpu.CompilerParams(use_tc_tiling_on_sc=False),
    )
    def gather(w_hbm, i_hbm, o_hbm, idx_v, rows_v, sem_i, sem_g):
        wid = lax.axis_index("subcore") * _NUM_CORES + lax.axis_index("core")
        base = wid * _BPW
        is_last = wid == _NW - 1

        @pl.when(~is_last)
        def _():
            pltpu.async_copy(i_hbm.at[pl.ds(base, _BPW)], idx_v, sem_i).wait()

        @pl.when(is_last)
        def _():
            pltpu.async_copy(
                i_hbm.at[pl.ds(base, _BPW_LAST)],
                idx_v.at[pl.ds(0, _BPW_LAST)],
                sem_i,
            ).wait()

        nfull = lax.select(is_last, 23, 24)

        @pl.loop(0, nfull)
        def _(j):
            pltpu.async_copy(
                w_hbm.at[idx_v.at[pl.ds(j * _WINDOW, _WINDOW)]],
                rows_v.at[pl.ds(j * _WINDOW, _WINDOW)],
                sem_g,
            )

        @pl.when(~is_last)
        def _():
            pltpu.async_copy(
                w_hbm.at[idx_v.at[pl.ds(24 * _WINDOW, _TAIL)]],
                rows_v.at[pl.ds(24 * _WINDOW, _TAIL)],
                sem_g,
            )
            pltpu.make_async_copy(o_hbm.at[pl.ds(base, _BPW)], rows_v, sem_g).wait()
            pltpu.sync_copy(rows_v, o_hbm.at[pl.ds(base, _BPW)])

        @pl.when(is_last)
        def _():
            pltpu.async_copy(
                w_hbm.at[idx_v.at[pl.ds(23 * _WINDOW, _TAIL_LAST)]],
                rows_v.at[pl.ds(23 * _WINDOW, _TAIL_LAST)],
                sem_g,
            )
            pltpu.make_async_copy(
                o_hbm.at[pl.ds(base, _BPW_LAST)],
                rows_v.at[pl.ds(0, _BPW_LAST)],
                sem_g,
            ).wait()
            pltpu.sync_copy(
                rows_v.at[pl.ds(0, _BPW_LAST)], o_hbm.at[pl.ds(base, _BPW_LAST)]
            )

    return gather


def kernel(node_type, weight):
    idx = node_type.reshape(-1)
    return _gather_fn(weight.shape[1])(weight, idx)

# --- scband reference (transcript-rebuilt; emitter-appended) ---
"""Pipeline reference for scband-embedding-node-attrs-89919435309466 (READ-ONLY COPY).

The authoritative reference and input builder live on the scoring server;
editing this copy changes nothing except your own understanding.
"""

import jax, jax.numpy as jnp
import numpy as np
import math

NUM_TYPES = 128
EMBED_DIM = 32
N_NODES = 100000

def setup_inputs(seed: int = 0) -> dict:
    key = jax.random.key(seed)
    k1, k2 = jax.random.split(key)
    node_type = jax.random.randint(k1, (N_NODES, 1), 0, NUM_TYPES, dtype=jnp.int32)
    # Embedding table initialized as in the torch module: normal(0, 1/sqrt(embedding_dim))
    weight = jax.random.normal(k2, (NUM_TYPES, EMBED_DIM), dtype=jnp.float32) * (1.0 / math.sqrt(EMBED_DIM))
    return {"node_type": node_type, "weight": weight}

def reference(node_type, weight):
    # Faithful to forward: squeeze trailing dim of node types, then embedding lookup
    type_numbers = jnp.squeeze(node_type, axis=-1)
    node_attrs = jnp.take(weight, type_numbers, axis=0)
    return node_attrs

if __name__ == "__main__":
    import jax
    _d = setup_inputs()
    print(jax.jit(kernel)(*tuple(_d.values())))

</pallas_src>

<mosaic_0001>
#map = affine_map<(d0, d1) -> (0, 0)>
#map1 = affine_map<(d0, d1) -> (0)>
module attributes {stable_mosaic.version = 14 : i64} {
  func.func @gather(%arg0: i32, %arg1: i32, %arg2: memref<128x32xf32, #tpu.memory_space<hbm>>, %arg3: memref<100000xi32, #tpu.memory_space<hbm>>, %arg4: memref<100000x32xf32, #tpu.memory_space<hbm>>, %arg5: memref<3128xi32, #tpu.memory_space<vmem>>, %arg6: memref<3128x32xf32, #tpu.memory_space<vmem>>, %arg7: memref<!tpu.dma_semaphore, #tpu.memory_space<semaphore_mem>>, %arg8: memref<!tpu.dma_semaphore, #tpu.memory_space<semaphore_mem>>) attributes {dimension_semantics = [#tpu.dimension_semantics<core_parallel>, #tpu.dimension_semantics<subcore_parallel>], iteration_bounds = array<i64: 2, 16>, scalar_prefetch = 0 : i64, scratch_operands = 4 : i64, tpu.core_type = #tpu.core_type<sc_vector_subcore>, window_params = [{transform_indices = #map}, {transform_indices = #map1}, {transform_indices = #map}]} {
    %mul3A = arith.constant 2 : i32
    %mul3A_0 = arith.muli %arg1, %mul3A : i32
    %add3A = arith.addi %mul3A_0, %arg0 : i32
    %mul3A_1 = arith.constant 3128 : i32
    %mul3A_2 = arith.muli %add3A, %mul3A_1 : i32
    %eq3A = arith.constant 31 : i32
    %eq3A_3 = arith.cmpi eq, %add3A, %eq3A : i32
    %not3A = arith.constant true
    %not3A_4 = arith.xori %eq3A_3, %not3A : i1
    %convert_element_type3A = arith.extui %not3A_4 : i1 to i32
    %cond3A = arith.constant 0 : i32
    %cond3A_5 = arith.cmpi ne, %convert_element_type3A, %cond3A : i32
    scf.if %cond3A_5 {
      %dma_start3A = tpu.memref_slice %arg3[%mul3A_2] : memref<100000xi32, #tpu.memory_space<hbm>> -> memref<3128xi32, #tpu.memory_space<hbm>>
      %dma_start3A_35 = tpu.memref_slice %arg3[%mul3A_2] : memref<100000xi32, #tpu.memory_space<hbm>> -> memref<3128xi32, #tpu.memory_space<hbm>>
      tpu.enqueue_dma source(%dma_start3A_35 : memref<3128xi32, #tpu.memory_space<hbm>>) target(%arg5 : memref<3128xi32, #tpu.memory_space<vmem>>) target_semaphore(%arg7 : memref<!tpu.dma_semaphore, #tpu.memory_space<semaphore_mem>>)
      %dma_wait3A = tpu.memref_slice %arg3[%mul3A_2] : memref<100000xi32, #tpu.memory_space<hbm>> -> memref<3128xi32, #tpu.memory_space<hbm>>
      %dma_wait3A_36 = tpu.memref_slice %arg3[%mul3A_2] : memref<100000xi32, #tpu.memory_space<hbm>> -> memref<3128xi32, #tpu.memory_space<hbm>>
      tpu.wait_dma2 semaphore(%arg7 : memref<!tpu.dma_semaphore, #tpu.memory_space<semaphore_mem>>) src(%dma_wait3A_36 : memref<3128xi32, #tpu.memory_space<hbm>>) dst(%arg5 : memref<3128xi32, #tpu.memory_space<vmem>>)
    } else {
    }
    %convert_element_type3A_6 = arith.extui %eq3A_3 : i1 to i32
    %cond3A_7 = arith.constant 0 : i32
    %cond3A_8 = arith.cmpi ne, %convert_element_type3A_6, %cond3A_7 : i32
    scf.if %cond3A_8 {
      %dma_start3A = arith.constant 0 : i32
      %dma_start3A_35 = tpu.memref_slice %arg5[%dma_start3A] : memref<3128xi32, #tpu.memory_space<vmem>> -> memref<3032xi32, #tpu.memory_space<vmem>>
      %dma_start3A_36 = tpu.memref_slice %arg3[%mul3A_2] : memref<100000xi32, #tpu.memory_space<hbm>> -> memref<3032xi32, #tpu.memory_space<hbm>>
      %dma_start3A_37 = arith.constant 0 : i32
      %dma_start3A_38 = tpu.memref_slice %arg5[%dma_start3A_37] : memref<3128xi32, #tpu.memory_space<vmem>> -> memref<3032xi32, #tpu.memory_space<vmem>>
      %dma_start3A_39 = tpu.memref_slice %arg3[%mul3A_2] : memref<100000xi32, #tpu.memory_space<hbm>> -> memref<3032xi32, #tpu.memory_space<hbm>>
      tpu.enqueue_dma source(%dma_start3A_39 : memref<3032xi32, #tpu.memory_space<hbm>>) target(%dma_start3A_38 : memref<3032xi32, #tpu.memory_space<vmem>>) target_semaphore(%arg7 : memref<!tpu.dma_semaphore, #tpu.memory_space<semaphore_mem>>)
      %dma_wait3A = arith.constant 0 : i32
      %dma_wait3A_40 = tpu.memref_slice %arg5[%dma_wait3A] : memref<3128xi32, #tpu.memory_space<vmem>> -> memref<3032xi32, #tpu.memory_space<vmem>>
      %dma_wait3A_41 = tpu.memref_slice %arg3[%mul3A_2] : memref<100000xi32, #tpu.memory_space<hbm>> -> memref<3032xi32, #tpu.memory_space<hbm>>
      %dma_wait3A_42 = arith.constant 0 : i32
      %dma_wait3A_43 = tpu.memref_slice %arg5[%dma_wait3A_42] : memref<3128xi32, #tpu.memory_space<vmem>> -> memref<3032xi32, #tpu.memory_space<vmem>>
      %dma_wait3A_44 = tpu.memref_slice %arg3[%mul3A_2] : memref<100000xi32, #tpu.memory_space<hbm>> -> memref<3032xi32, #tpu.memory_space<hbm>>
      tpu.wait_dma2 semaphore(%arg7 : memref<!tpu.dma_semaphore, #tpu.memory_space<semaphore_mem>>) src(%dma_wait3A_44 : memref<3032xi32, #tpu.memory_space<hbm>>) dst(%dma_wait3A_43 : memref<3032xi32, #tpu.memory_space<vmem>>)
    } else {
    }
    %select_n3A = arith.constant 24 : i32
    %select_n3A_9 = arith.constant 23 : i32
    %select_n3A_10 = arith.select %eq3A_3, %select_n3A_9, %select_n3A : i32
    %sub3A = arith.constant 0 : i32
    %sub3A_11 = arith.subi %select_n3A_10, %sub3A : i32
    %sub3A_12 = arith.constant 1 : i32
    %sub3A_13 = arith.constant 1 : i32
    %sub3A_14 = arith.subi %sub3A_12, %sub3A_13 : i32
    %add3A_15 = arith.addi %sub3A_11, %sub3A_14 : i32
    %div3A = arith.constant 1 : i32
    %div3A_16 = arith.divsi %add3A_15, %div3A : i32
    %while3A = arith.constant 1 : i32
    %while3A_17 = arith.constant 0 : i32
    %while3A_18 = arith.constant 0 : i32
    %while3A_19 = arith.subi %div3A_16, %while3A_18 : i32
    %while3A_20 = arith.addi %while3A_18, %while3A_19 : i32
    %while3A_21 = arith.constant 1 : i32
    %while3A_22 = arith.divsi %while3A_19, %while3A_21 : i32
    %while3A_23 = arith.muli %while3A_22, %while3A_21 : i32
    %while3A_24 = arith.addi %while3A_18, %while3A_23 : i32
    %while3A_25 = arith.constant 1 : i32
    scf.for %while3A_35 = %while3A_18 to %while3A_24 step %while3A_25  : i32 {
      %mul3A_36 = arith.muli %while3A_35, %while3A : i32
      %add3A_37 = arith.addi %while3A_17, %mul3A_36 : i32
      %mul3A_38 = arith.constant 128 : i32
      %mul3A_39 = arith.muli %add3A_37, %mul3A_38 : i32
      %mul3A_40 = arith.constant 128 : i32
      %mul3A_41 = arith.muli %add3A_37, %mul3A_40 : i32
      %dma_start3A = arith.constant 0 : i32
      %dma_start3A_42 = tpu.memref_slice %arg6[%mul3A_41, %dma_start3A] : memref<3128x32xf32, #tpu.memory_space<vmem>> -> memref<128x32xf32, #tpu.memory_space<vmem>>
      %dma_start3A_43 = tpu.memref_slice %arg5[%mul3A_39] : memref<3128xi32, #tpu.memory_space<vmem>> -> memref<128xi32, #tpu.memory_space<vmem>>
      %dma_start3A_44 = arith.constant 0 : i32
      %dma_start3A_45 = arith.constant 0 : i32
      %dma_start3A_46 = tpu.memref_slice %arg2[%dma_start3A_44, %dma_start3A_45] : memref<128x32xf32, #tpu.memory_space<hbm>> -> memref<128x32xf32, #tpu.memory_space<hbm>>
      tpu.enqueue_indirect_dma source(%dma_start3A_46 : memref<128x32xf32, #tpu.memory_space<hbm>>) target(%dma_start3A_42 : memref<128x32xf32, #tpu.memory_space<vmem>>) offsets(%dma_start3A_43 : memref<128xi32, #tpu.memory_space<vmem>>) semaphore(%arg8 : memref<!tpu.dma_semaphore, #tpu.memory_space<semaphore_mem>>)
    }
    %while3A_26 = arith.constant 1 : i32
    scf.for %while3A_35 = %while3A_24 to %while3A_20 step %while3A_26  : i32 {
      %mul3A_36 = arith.muli %while3A_35, %while3A : i32
      %add3A_37 = arith.addi %while3A_17, %mul3A_36 : i32
      %mul3A_38 = arith.constant 128 : i32
      %mul3A_39 = arith.muli %add3A_37, %mul3A_38 : i32
      %mul3A_40 = arith.constant 128 : i32
      %mul3A_41 = arith.muli %add3A_37, %mul3A_40 : i32
      %dma_start3A = arith.constant 0 : i32
      %dma_start3A_42 = tpu.memref_slice %arg6[%mul3A_41, %dma_start3A] : memref<3128x32xf32, #tpu.memory_space<vmem>> -> memref<128x32xf32, #tpu.memory_space<vmem>>
      %dma_start3A_43 = tpu.memref_slice %arg5[%mul3A_39] : memref<3128xi32, #tpu.memory_space<vmem>> -> memref<128xi32, #tpu.memory_space<vmem>>
      %dma_start3A_44 = arith.constant 0 : i32
      %dma_start3A_45 = arith.constant 0 : i32
      %dma_start3A_46 = tpu.memref_slice %arg2[%dma_start3A_44, %dma_start3A_45] : memref<128x32xf32, #tpu.memory_space<hbm>> -> memref<128x32xf32, #tpu.memory_space<hbm>>
      tpu.enqueue_indirect_dma source(%dma_start3A_46 : memref<128x32xf32, #tpu.memory_space<hbm>>) target(%dma_start3A_42 : memref<128x32xf32, #tpu.memory_space<vmem>>) offsets(%dma_start3A_43 : memref<128xi32, #tpu.memory_space<vmem>>) semaphore(%arg8 : memref<!tpu.dma_semaphore, #tpu.memory_space<semaphore_mem>>)
    }
    %not3A_27 = arith.constant true
    %not3A_28 = arith.xori %eq3A_3, %not3A_27 : i1
    %convert_element_type3A_29 = arith.extui %not3A_28 : i1 to i32
    %cond3A_30 = arith.constant 0 : i32
    %cond3A_31 = arith.cmpi ne, %convert_element_type3A_29, %cond3A_30 : i32
    scf.if %cond3A_31 {
      %dma_start3A = arith.constant 3072 : i32
      %dma_start3A_35 = arith.constant 0 : i32
      %dma_start3A_36 = tpu.memref_slice %arg6[%dma_start3A, %dma_start3A_35] : memref<3128x32xf32, #tpu.memory_space<vmem>> -> memref<56x32xf32, #tpu.memory_space<vmem>>
      %dma_start3A_37 = arith.constant 3072 : i32
      %dma_start3A_38 = tpu.memref_slice %arg5[%dma_start3A_37] : memref<3128xi32, #tpu.memory_space<vmem>> -> memref<56xi32, #tpu.memory_space<vmem>>
      %dma_start3A_39 = arith.constant 0 : i32
      %dma_start3A_40 = arith.constant 0 : i32
      %dma_start3A_41 = tpu.memref_slice %arg2[%dma_start3A_39, %dma_start3A_40] : memref<128x32xf32, #tpu.memory_space<hbm>> -> memref<128x32xf32, #tpu.memory_space<hbm>>
      tpu.enqueue_indirect_dma source(%dma_start3A_41 : memref<128x32xf32, #tpu.memory_space<hbm>>) target(%dma_start3A_36 : memref<56x32xf32, #tpu.memory_space<vmem>>) offsets(%dma_start3A_38 : memref<56xi32, #tpu.memory_space<vmem>>) semaphore(%arg8 : memref<!tpu.dma_semaphore, #tpu.memory_space<semaphore_mem>>)
      %dma_wait3A = arith.constant 0 : i32
      %dma_wait3A_42 = tpu.memref_slice %arg4[%mul3A_2, %dma_wait3A] : memref<100000x32xf32, #tpu.memory_space<hbm>> -> memref<3128x32xf32, #tpu.memory_space<hbm>>
      %dma_wait3A_43 = arith.constant 0 : i32
      %dma_wait3A_44 = tpu.memref_slice %arg4[%mul3A_2, %dma_wait3A_43] : memref<100000x32xf32, #tpu.memory_space<hbm>> -> memref<3128x32xf32, #tpu.memory_space<hbm>>
      tpu.wait_dma2 semaphore(%arg8 : memref<!tpu.dma_semaphore, #tpu.memory_space<semaphore_mem>>) src(%dma_wait3A_44 : memref<3128x32xf32, #tpu.memory_space<hbm>>) dst(%arg6 : memref<3128x32xf32, #tpu.memory_space<vmem>>)
      "tpu.region"() ({
        %run_scoped3A = tpu.sem_alloc : memref<!tpu.dma_semaphore, #tpu.memory_space<semaphore_mem>>
        %dma_start3A_45 = arith.constant 0 : i32
        %dma_start3A_46 = tpu.memref_slice %arg4[%mul3A_2, %dma_start3A_45] : memref<100000x32xf32, #tpu.memory_space<hbm>> -> memref<3128x32xf32, #tpu.memory_space<hbm>>
        %dma_start3A_47 = arith.constant 0 : i32
        %dma_start3A_48 = tpu.memref_slice %arg4[%mul3A_2, %dma_start3A_47] : memref<100000x32xf32, #tpu.memory_space<hbm>> -> memref<3128x32xf32, #tpu.memory_space<hbm>>
        tpu.enqueue_dma source(%arg6 : memref<3128x32xf32, #tpu.memory_space<vmem>>) target(%dma_start3A_48 : memref<3128x32xf32, #tpu.memory_space<hbm>>) target_semaphore(%run_scoped3A : memref<!tpu.dma_semaphore, #tpu.memory_space<semaphore_mem>>)
        %dma_wait3A_49 = arith.constant 0 : i32
        %dma_wait3A_50 = tpu.memref_slice %arg4[%mul3A_2, %dma_wait3A_49] : memref<100000x32xf32, #tpu.memory_space<hbm>> -> memref<3128x32xf32, #tpu.memory_space<hbm>>
        %dma_wait3A_51 = arith.constant 0 : i32
        %dma_wait3A_52 = tpu.memref_slice %arg4[%mul3A_2, %dma_wait3A_51] : memref<100000x32xf32, #tpu.memory_space<hbm>> -> memref<3128x32xf32, #tpu.memory_space<hbm>>
        tpu.wait_dma2 semaphore(%run_scoped3A : memref<!tpu.dma_semaphore, #tpu.memory_space<semaphore_mem>>) src(%arg6 : memref<3128x32xf32, #tpu.memory_space<vmem>>) dst(%dma_wait3A_52 : memref<3128x32xf32, #tpu.memory_space<hbm>>)
        tpu.yield
      }) : () -> ()
    } else {
    }
    %convert_element_type3A_32 = arith.extui %eq3A_3 : i1 to i32
    %cond3A_33 = arith.constant 0 : i32
    %cond3A_34 = arith.cmpi ne, %convert_element_type3A_32, %cond3A_33 : i32
    scf.if %cond3A_34 {
      %dma_start3A = arith.constant 2944 : i32
      %dma_start3A_35 = arith.constant 0 : i32
      %dma_start3A_36 = tpu.memref_slice %arg6[%dma_start3A, %dma_start3A_35] : memref<3128x32xf32, #tpu.memory_space<vmem>> -> memref<88x32xf32, #tpu.memory_space<vmem>>
      %dma_start3A_37 = arith.constant 2944 : i32
      %dma_start3A_38 = tpu.memref_slice %arg5[%dma_start3A_37] : memref<3128xi32, #tpu.memory_space<vmem>> -> memref<88xi32, #tpu.memory_space<vmem>>
      %dma_start3A_39 = arith.constant 0 : i32
      %dma_start3A_40 = arith.constant 0 : i32
      %dma_start3A_41 = tpu.memref_slice %arg2[%dma_start3A_39, %dma_start3A_40] : memref<128x32xf32, #tpu.memory_space<hbm>> -> memref<128x32xf32, #tpu.memory_space<hbm>>
      tpu.enqueue_indirect_dma source(%dma_start3A_41 : memref<128x32xf32, #tpu.memory_space<hbm>>) target(%dma_start3A_36 : memref<88x32xf32, #tpu.memory_space<vmem>>) offsets(%dma_start3A_38 : memref<88xi32, #tpu.memory_space<vmem>>) semaphore(%arg8 : memref<!tpu.dma_semaphore, #tpu.memory_space<semaphore_mem>>)
      %dma_wait3A = arith.constant 0 : i32
      %dma_wait3A_42 = arith.constant 0 : i32
      %dma_wait3A_43 = tpu.memref_slice %arg6[%dma_wait3A, %dma_wait3A_42] : memref<3128x32xf32, #tpu.memory_space<vmem>> -> memref<3032x32xf32, #tpu.memory_space<vmem>>
      %dma_wait3A_44 = arith.constant 0 : i32
      %dma_wait3A_45 = tpu.memref_slice %arg4[%mul3A_2, %dma_wait3A_44] : memref<100000x32xf32, #tpu.memory_space<hbm>> -> memref<3032x32xf32, #tpu.memory_space<hbm>>
      %dma_wait3A_46 = arith.constant 0 : i32
      %dma_wait3A_47 = arith.constant 0 : i32
      %dma_wait3A_48 = tpu.memref_slice %arg6[%dma_wait3A_46, %dma_wait3A_47] : memref<3128x32xf32, #tpu.memory_space<vmem>> -> memref<3032x32xf32, #tpu.memory_space<vmem>>
      %dma_wait3A_49 = arith.constant 0 : i32
      %dma_wait3A_50 = tpu.memref_slice %arg4[%mul3A_2, %dma_wait3A_49] : memref<100000x32xf32, #tpu.memory_space<hbm>> -> memref<3032x32xf32, #tpu.memory_space<hbm>>
      tpu.wait_dma2 semaphore(%arg8 : memref<!tpu.dma_semaphore, #tpu.memory_space<semaphore_mem>>) src(%dma_wait3A_50 : memref<3032x32xf32, #tpu.memory_space<hbm>>) dst(%dma_wait3A_48 : memref<3032x32xf32, #tpu.memory_space<vmem>>)
      "tpu.region"() ({
        %run_scoped3A = tpu.sem_alloc : memref<!tpu.dma_semaphore, #tpu.memory_space<semaphore_mem>>
        %dma_start3A_51 = arith.constant 0 : i32
        %dma_start3A_52 = arith.constant 0 : i32
        %dma_start3A_53 = tpu.memref_slice %arg6[%dma_start3A_51, %dma_start3A_52] : memref<3128x32xf32, #tpu.memory_space<vmem>> -> memref<3032x32xf32, #tpu.memory_space<vmem>>
        %dma_start3A_54 = arith.constant 0 : i32
        %dma_start3A_55 = tpu.memref_slice %arg4[%mul3A_2, %dma_start3A_54] : memref<100000x32xf32, #tpu.memory_space<hbm>> -> memref<3032x32xf32, #tpu.memory_space<hbm>>
        %dma_start3A_56 = arith.constant 0 : i32
        %dma_start3A_57 = tpu.memref_slice %arg4[%mul3A_2, %dma_start3A_56] : memref<100000x32xf32, #tpu.memory_space<hbm>> -> memref<3032x32xf32, #tpu.memory_space<hbm>>
        %dma_start3A_58 = arith.constant 0 : i32
        %dma_start3A_59 = arith.constant 0 : i32
        %dma_start3A_60 = tpu.memref_slice %arg6[%dma_start3A_58, %dma_start3A_59] : memref<3128x32xf32, #tpu.memory_space<vmem>> -> memref<3032x32xf32, #tpu.memory_space<vmem>>
        tpu.enqueue_dma source(%dma_start3A_60 : memref<3032x32xf32, #tpu.memory_space<vmem>>) target(%dma_start3A_57 : memref<3032x32xf32, #tpu.memory_space<hbm>>) target_semaphore(%run_scoped3A : memref<!tpu.dma_semaphore, #tpu.memory_space<semaphore_mem>>)
        %dma_wait3A_61 = arith.constant 0 : i32
        %dma_wait3A_62 = arith.constant 0 : i32
        %dma_wait3A_63 = tpu.memref_slice %arg6[%dma_wait3A_61, %dma_wait3A_62] : memref<3128x32xf32, #tpu.memory_space<vmem>> -> memref<3032x32xf32, #tpu.memory_space<vmem>>
        %dma_wait3A_64 = arith.constant 0 : i32
        %dma_wait3A_65 = tpu.memref_slice %arg4[%mul3A_2, %dma_wait3A_64] : memref<100000x32xf32, #tpu.memory_space<hbm>> -> memref<3032x32xf32, #tpu.memory_space<hbm>>
        %dma_wait3A_66 = arith.constant 0 : i32
        %dma_wait3A_67 = tpu.memref_slice %arg4[%mul3A_2, %dma_wait3A_66] : memref<100000x32xf32, #tpu.memory_space<hbm>> -> memref<3032x32xf32, #tpu.memory_space<hbm>>
        %dma_wait3A_68 = arith.constant 0 : i32
        %dma_wait3A_69 = arith.constant 0 : i32
        %dma_wait3A_70 = tpu.memref_slice %arg6[%dma_wait3A_68, %dma_wait3A_69] : memref<3128x32xf32, #tpu.memory_space<vmem>> -> memref<3032x32xf32, #tpu.memory_space<vmem>>
        tpu.wait_dma2 semaphore(%run_scoped3A : memref<!tpu.dma_semaphore, #tpu.memory_space<semaphore_mem>>) src(%dma_wait3A_70 : memref<3032x32xf32, #tpu.memory_space<vmem>>) dst(%dma_wait3A_67 : memref<3032x32xf32, #tpu.memory_space<hbm>>)
        tpu.yield
      }) : () -> ()
    } else {
    }
    return
  }
}

</mosaic_0001>

<sc_bundles>
// kernel: kernel.3.cloned.1.call-start
scs
__scs_entry_jumppad:
0x0: {  	(pc) =	sbr.rel $0x88, $3  }
0x1: {  	(tag) =	ssettag $0x0;
	lr =	simm.s32 $0x1  }
0x2: {  	[smem:$0x3F9F] =	sst lr;
	_ =	strace $0xD0000000  }
0x3: {  	_ = 	snop  }
0x4: {  	_ = 	snop  }
0x5: {  	_ = 	snop  }
0x6: {  	_ = 	snop  }
0x7: {  	_ = 	snop  }
__scs_overlays_trampoline_lowered:
0x8: {  	[smem:$0x3FAE] =	sst s0  }
0x9: {  	[smem:$0x3FAF] =	sst s1  }
0xa: {  	[smem:$0x3FB0] =	sst s2  }
0xb: {  	[smem:$0x3FB1] =	sst s3  }
0xc: {  	[smem:$0x3FB2] =	sst s4  }
0xd: {  	[smem:$0x3FB3] =	sst s5  }
0xe: {  	[smem:$0x3FB4] =	sst s6  }
0xf: {  	[smem:$0x3FB5] =	sst s7  }
0x10: {  	[smem:$0x3FB6] =	sst s8  }
0x11: {  	[smem:$0x3FB7] =	sst s9;
	s0 =	simm.s32 @!p0 $0x0  }
0x12: {  	s1 =	sld [smem:$0x3F9D];
	s0 =	simm.s32 @p0 $0x1  }
0x13: {  	[smem:$0x3FB8] =	sst s0;
	s0 =	simm.s32 @!p1 $0x0  }
0x14: {  	s2 =	sld [smem:$0x3F9C];
	s0 =	simm.s32 @p1 $0x1  }
0x15: {  	[smem:$0x3FB9] =	sst s0;
	s0 =	simm.s32 @!p2 $0x0  }
0x16: {  	s3 =	sld [smem:$0x3FDB];
	s0 =	simm.s32 @p2 $0x1  }
0x17: {  	s4 =	simm.s32 $0x1BF5;
	[smem:$0x3FBB] =	sst s0  }
0x18: {  	s0 =	sld [smem:$0x3F9E];
	_ =	swait.ge [sflag:s4], $0x0  }
0x19: {  	s7 =	sld [smem:$0x3F9F]  }
0x1a: {  	s8 =	sadd.s32 $0xFFFFE003, lr  }
0x1b: {  	s9 =	sadd.s32 $0xFFFFFEF7, lr;
	s5 =	simm.s32 $0xFFFFFFFF;
	p2 =	slt.u32 s8, $0xFFFFF086  }
0x1c: {  	p1 =	slt.u32 s9, $0xF7A;
	s5 =	simm.s32 @!p2 $0x0  }
0x1d: {  	s5 =	simm.s32 @p1 $0x1;
	p0 =	seq.s32 s7, s2  }
0x1e: {  	s7 =	smul.u32 @!p0 $0xF7A, s2;
	p2 =	seq.s32 @!p0 s5, $0x0  }
0x1f: {  	s9 =	smul.u32 $0xF7A, s1;
	s8 =	simm.s32 @!p0 $0x1BF5;
	p2 =	por !p2, p0  }
0x20: {  	[sflag:s8] =	ssyncset.s32 @!p0 $0xFFFFF086;
	s6 =	sadd.s32 @!p0 s3, s7;
	s7 =	simm.s32 @!p0 $0x108  }
0x21: {  	s3 =	sadd.s32 s3, s9;
	s6 =	sadd.s32 @!p0 $0x88, s6;
	s7 =	simm.s32 @p2 $0x1082  }
0x22: {  	[simem:s7], [sflag:s8] =	dma.local @!p0 [hbm:s6], $0xF7A  }
0x23: {  	s9 =	sor.u32 $0xD0000000, s2;
	s6 =	simm.s32 $0x108;
	_ =	swait.ge @!p0 [sflag:s8], $0x0  }
0x24: {  	s3 =	sadd.s32 $0x88, s3;
	s6 =	simm.s32 @!p1 $0x1082;
	[sflag:s4] =	ssyncset.s32 $0xFFFFF086  }
0x25: {  	[simem:s6], [sflag:s4] =	dma.local [hbm:s3], $0xF7A  }
0x26: {  	[smem:$0x3F9F] =	sst s1;
	(tag) =	ssettag s2;
	_ =	strace s9  }
0x27: {  	s1 =	sld [smem:$0x3FAF]  }
0x28: {  	s2 =	sld [smem:$0x3FB0]  }
0x29: {  	s4 =	sld [smem:$0x3FB2]  }
0x2a: {  	p0 =	seq.s32 s5, $0x0;
	s5 =	sld [smem:$0x3FB3]  }
0x2b: {  	s6 =	sld [smem:$0x3FB4]  }
0x2c: {  	s7 =	sld [smem:$0x3FB5]  }
0x2d: {  	s3 =	simm.s32 $0x108;
	s8 =	sld [smem:$0x3FB6]  }
0x2e: {  	s3 =	simm.s32 @!p0 $0x1082;
	s9 =	sld [smem:$0x3FB7]  }
0x2f: {  	lr =	sadd.s32 s0, s3;
	s0 =	sld [smem:$0x3FAE]  }
0x30: {  	s3 =	sld [smem:$0x3FB1]  }
0x31: {  	[smem:$0x3FBA] =	sst s10  }
0x32: {  	s10 =	sld [smem:$0x3FB8];
	_ =	sdelay $0x3  }
0x33: {  	p0 =	seq.s32 s10, $0x1;
	s10 =	sld [smem:$0x3FBA];
	_ =	sdelay $0x3  }
0x34: {  	[smem:$0x3FBA] =	sst s10  }
0x35: {  	s10 =	sld [smem:$0x3FB9];
	_ =	sdelay $0x3  }
0x36: {  	p1 =	seq.s32 s10, $0x1;
	s10 =	sld [smem:$0x3FBA];
	_ =	sdelay $0x3  }
0x37: {  	[smem:$0x3FBA] =	sst s10  }
0x38: {  	s10 =	sld [smem:$0x3FBB]  }
0x39: {  	_ = 	snop;
	(pc) =	sbr.ind lr, $3  }
0x3a: {  	_ = 	snop  }
0x3b: {  	_ = 	snop  }
0x3c: {  	p2 =	seq.s32 s10, $0x1;
	s10 =	sld [smem:$0x3FBA]  }
0x3d: {  	_ =	shalt  }
0x3e: {  	_ =	shalt  }
0x3f: {  	_ =	shalt  }
0x40: {  	_ =	shalt  }
0x41: {  	_ =	shalt  }
0x42: {  	_ =	shalt  }
0x43: {  	_ =	shalt  }
0x44: {  	_ =	shalt  }
0x45: {  	_ =	shalt  }
0x46: {  	_ =	shalt  }
0x47: {  	_ =	shalt  }
0x48: {  	_ =	shalt  }
0x49: {  	_ =	shalt  }
0x4a: {  	_ =	shalt  }
0x4b: {  	_ =	shalt  }
0x4c: {  	_ =	shalt  }
0x4d: {  	_ =	shalt  }
0x4e: {  	_ =	shalt  }
0x4f: {  	_ =	shalt  }
0x50: {  	_ =	shalt  }
0x51: {  	_ =	shalt  }
0x52: {  	_ =	shalt  }
0x53: {  	_ =	shalt  }
0x54: {  	_ =	shalt  }
0x55: {  	_ =	shalt  }
0x56: {  	_ =	shalt  }
0x57: {  	_ =	shalt  }
0x58: {  	_ =	shalt  }
0x59: {  	_ =	shalt  }
0x5a: {  	_ =	shalt  }
0x5b: {  	_ =	shalt  }
0x5c: {  	_ =	shalt  }
0x5d: {  	_ =	shalt  }
0x5e: {  	_ =	shalt  }
0x5f: {  	_ =	shalt  }
0x60: {  	_ =	shalt  }
0x61: {  	_ =	shalt  }
0x62: {  	_ =	shalt  }
0x63: {  	_ =	shalt  }
0x64: {  	_ =	shalt  }
0x65: {  	_ =	shalt  }
0x66: {  	_ =	shalt  }
0x67: {  	_ =	shalt  }
0x68: {  	_ =	shalt  }
0x69: {  	_ =	shalt  }
0x6a: {  	_ =	shalt  }
0x6b: {  	_ =	shalt  }
0x6c: {  	_ =	shalt  }
0x6d: {  	_ =	shalt  }
0x6e: {  	_ =	shalt  }
0x6f: {  	_ =	shalt  }
0x70: {  	_ =	shalt  }
0x71: {  	_ =	shalt  }
0x72: {  	_ =	shalt  }
0x73: {  	_ =	shalt  }
0x74: {  	_ =	shalt  }
0x75: {  	_ =	shalt  }
0x76: {  	_ =	shalt  }
0x77: {  	_ =	shalt  }
0x78: {  	_ =	shalt  }
0x79: {  	_ =	shalt  }
0x7a: {  	_ =	shalt  }
0x7b: {  	_ =	shalt  }
0x7c: {  	_ =	shalt  }
0x7d: {  	_ =	shalt  }
0x7e: {  	_ =	shalt  }
0x7f: {  	_ =	shalt  }
0x80: {  	_ =	shalt  }
0x81: {  	_ =	shalt  }
0x82: {  	_ =	shalt  }
0x83: {  	_ =	shalt  }
0x84: {  	_ =	shalt  }
0x85: {  	_ =	shalt  }
0x86: {  	_ =	shalt  }
0x87: {  	_ =	shalt  }
.Lfunc_end0:
.L_simem_size_0:
called_computation_lowered:
.L_overlay_start_0:
0x88: {  	s2 =	sld [smem:$0x3FD9]  }
0x89: {  	s3 =	sld [smem:$0x3FFE];
	_ =	sdelay $0x1  }
0x8a: {  	s1 =	srdreg.scid  }
0x8b: {  	s0 =	sand.u32 $0x1, s1  }
0x8c: {  	s17 =	sshll.u32 s0, $0xA;
	s2 =	sadd.s32 s3, s2  }
0x8d: {  	s2 =	sadd.s32 s2, s17  }
0x8e: {  	[smem:$0x3FC6] =	sst s2  }
0x8f: {  	_ = 	snop  }
0x90: {  	s2 =	sld [smem:$0x3FD0];
	(tm) =	ssettm $0x1  }
0x91: {  	s18 =	sld [smem:$0x3FFB];
	_ =	sdelay $0x3  }
0x92: {  	_ =	strace s18  }
0x93: {  	s3 =	sld [smem:$0x3FFC];
	_ =	sdelay $0x3  }
0x94: {  	_ =	strace s3  }
0x95: {  	s3 =	sld [smem:$0x3FFD];
	_ =	sdelay $0x3  }
0x96: {  	_ =	strace s3  }
0x97: {  	_ =	strace $0x8FFFFFFF  }
0x98: {  	s19 =	sld [smem:$0x3FDB];
	_ =	sdelay $0x1  }
0x99: {  	s4 =	simm.s32 $_scs_section_size  }
0x9a: {  	s5 =	simm.s32 $_size__tile_overlayer_lowered;
	s6 =	simm.s32 $_tile_overlayer_lowered  }
0x9b: {  	s22 =	simm.s32 $0x1BFF;
	s21 =	sshll.u32 s6, $0x1;
	s3 =	sadd.s32 s4, s19  }
0x9c: {  	s7 =	simm.s32 $0x0;
	s20 =	sshll.u32 s5, $0x1;
	s5 =	sadd.s32 s21, s3  }
0x9d: {  	[timem:s7], [sflag:s22] =	dma.local [hbm:s5], s20  }
0x9e: {  	_ =	swait.ge [sflag:s22], s20  }
0x9f: {  	s4 =	ssub.s32 $0x0, s20;
	[sflag:s22] =	ssyncset.done $0x0  }
0xa0: {  	[sflag:s22] =	ssyncadd.s32 s4;
	_ =	sdelay $0x1  }
0xa1: {  	s23 =	simm.s32 $0x1B8B  }
0xa2: {  	_ =	swait.ge [sflag:s23], $0x1  }
0xa3: {  	[sflag:s23] =	ssyncset.done $0x0  }
0xa4: {  	s25 =	simm.s32 $0x1B8E;
	s24 =	sld [smem:$0x3FFE];
	[sflag:s23] =	ssyncadd.s32 $0xFFFFFFFF  }
0xa5: {  	s26 =	simm.s32 $execute0_lowered;
	[smem:$0x3FD2] =	sst s25  }
0xa6: {  	s5 =	sshll.u32 s26, $0x1;
	_ =	strace $0x80000046;
	[dreg:$0x1] =	wrdreg $0xFFFFFFFF  }
0xa7: {  	s28 =	simm.s32 $_size_execute0_lowered;
	s3 =	sadd.s32 s3, s5;
	[dreg:$0x0] =	wrdreg $0x0  }
0xa8: {  	s5 =	sshll.u32 s28, $0x1;
	[dreg:$0x2] =	wrdreg s3  }
0xa9: {  	[dreg:$0x3] =	wrdreg s5  }
0xaa: {  	[dreg:$0x4] =	wrdreg $0xC0  }
0xab: {  	_ =	task [dreg:s7], $0x5FFFF  }
0xac: {  	[dreg:$0x1] =	wrdreg $0xFFFFFFFF  }
0xad: {  	[dreg:$0x0] =	wrdreg $0x60  }
0xae: {  	[dreg:$0x2] =	wrdreg s24  }
0xaf: {  	[dreg:$0x3] =	wrdreg s2  }
0xb0: {  	[dreg:$0x4] =	wrdreg $0x9  }
0xb1: {  	_ =	task.clear_ibuf [dreg:s7], $0x5FFFF;
	_ =	strace $0x90000046  }
0xb2: {  	s29 =	simm.s32 $0x9;
	_ =	strace $0x80000048  }
0xb3: {  	_ =	swait.ge [sflag:s29], $0x1  }
0xb4: {  	[sflag:s29] =	ssyncadd.s32 $0xFFFFFFFF  }
0xb5: {  	_ =	strace $0x90000048  }
0xb6: {  	_ =	sfence  }
0xb7: {  	s30 =	sld [smem:$0x0];
	_ =	sdelay $0x2  }
0xb8: {  	s31 =	sshll.u32 s1, $0xD;
	s1 =	sshrl.u32 s1, $0x2  }
0xb9: {  	s3 =	sand.u32 $0x4000, s31;
	s1 =	sadd.s32 s1, s30  }
0xba: {  	s0 =	sor.u32 s3, s0;
	s1 =	sshll.u32 s1, $0x11  }
0xbb: {  	s0 =	sor.u32 s1, s0  }
0xbc: {  	s0 =	sadd.s32 $0x8F2B, s0  }
0xbd: {  	[sflag:s0] =	ssyncadd.remote.s32 $0x1  }
0xbe: {  	_ =	sfence.sel $0xFFFF  }
0xbf: {  	[dreg:$0x0] =	wrdreg $0xFFFFFFFF;
	(pc) =	sbr.abs _section_cstart, $3  }
0xc0: {  	[dreg:$0x1] =	wrdreg $0xFFFFFFFF  }
0xc1: {  	_ =	task.clear_ibuf [dreg:s7], $0x2FFFF;
	_ =	strace $0x9FFFFFFF  }
0xc2: {  	(tm) =	ssettm $0x7FFFFFFF  }
0xc3: {  	_ =	shalt  }
tec
execute0_lowered:
.L_overlay_start_1:
0x0: {  	(tag) =	ssettag $0x1  }
0x1: {  	s2 =	rddreg [dreg:$0x0];
	s1 =	srdreg.scid  }
0x2: {  	s0 =	stileid.u32;
	s7 =	rddreg [dreg:$0x1];
	s3 =	simm.s32 $0x0  }
0x3: {  	s4 =	sand.u32 $0x1, s1;
	s5 =	sshll.u32 s0, $0x1;
	s1 =	rddreg [dreg:$0x2]  }
0x4: {  	[smem:$0x7FF] =	sst s3;
	s9 =	sor.u32 s4, s5  }
0x5: {  	_ =	strace $0x80000047;
	s4 =	ssub.s32 $0x2, s4;
	s5 =	smul.u32 $0x187, s9  }
0x6: {  	s6 =	sshrl.u32 s4, $0x1;
	s8 =	smul.u32 $0x30E0, s9;
	p0 =	seq.s32 s9, $0x1F  }
0x7: {  	s9 =	simm.s32 $0x80;
	s10 =	ssub.s32 s4, s6;
	s5 =	sadd.s32 s5, s2  }
0x8: {  	s6 =	sadd.s32 s7, s8;
	s7 =	sadd.s32 $0x5EB20, s7;
	s8 =	smax.u32 s10, $0x1  }
0x9: {  	s10 =	simm.s32 $0x0;
	s4 =	sadd.s32 $0x200, s5;
	s5 =	sadd.s32 $0x3159, s2  }
.LBB2_1:
0xa: {  	s12 =	simm.s32 @p0 $0x0;
	s11 =	simm.s32 @p0 $0x1  }
0xb: {  	[tilespmem:s12], [sflag:$0x1] =	stream.linear.gather @p0 [hbm4b:s5+s12], $0xBD8, $0x38;
	[tilespmem:$0x19338] =	vst v63  }
0xc: {  	s14 =	simm.s32 @!p0 $0x18;
	_ =	swait.ge @p0 [sflag:s11], $0xBD8  }
0xd: {  	s14 =	simm.s32 @p0 $0x17;
	[sflag:s11] =	ssyncset.done @p0 $0x0  }
0xe: {  	p1 =	sne.s32 s14, $0x1;
	[sflag:s11] =	ssyncadd.s32 @p0 $0xFFFFF428;
	s11 =	simm.s32 @!p0 $0x0  }
0xf: {  	[tilespmem:s11], [sflag:$0x1] =	stream.linear.gather @!p0 [hbm4b:s4+s11], $0xC38, $0x38;
	[tilespmem:$0x19338] =	vst v63  }
.Ltmp0:
0x10: {  	s13 =	simm.s32 @!p0 $0x1;
	(pc) =	sbr.rel @!p1 .LBB2_3-.Ltmp0, $4  }
0x11: {  	_ =	swait.ge @!p0 [sflag:s13], $0xC38  }
0x12: {  	s15 =	simm.s32 $0x0;
	[sflag:s13] =	ssyncset.done @!p0 $0x0  }
0x13: {  	s14 =	sadd.s32 $0xFFFFFFFF, s14;
	[sflag:s13] =	ssyncadd.s32 @!p0 $0xFFFFF3C8;
	s13 =	simm.s32 $0xC38  }
0x14: {  	[tilespmem:s13], [sflag:$0x2] =	stream.indirect.gather [hbm4b:s2+s9], $0x20, s3, s9, $0xb8;
	[tilespmem:$0x19338] =	vst v63  }
.LBB2_2:
0x15: {  	p1 =	sne.s32 s14, $0x1  }
.Ltmp1:
0x16: {  	_ = 	snop;
	(pc) =	sbr.rel @p1 .LBB2_2-.Ltmp1, $4  }
0x17: {  	_ = 	snop  }
0x18: {  	s15 =	sadd.s32 $0x80, s15;
	s13 =	sadd.s32 $0x1000, s13  }
0x19: {  	s14 =	sadd.s32 $0xFFFFFFFF, s14  }
0x1a: {  	[tilespmem:s13], [sflag:$0x2] =	stream.indirect.gather [hbm4b:s2+s9], $0x20, s15, s9, $0xb8;
	[tilespmem:$0x19338] =	vst v63  }
.LBB2_3:
0x1b: {  	s13 =	simm.s32 @p0 $0x58;
	s14 =	simm.s32 @p0 $0xB80;
	s15 =	simm.s32 @p0 $0x17C38  }
0x1c: {  	[tilespmem:s15], [sflag:$0x2] =	stream.indirect.gather @p0 [hbm4b:s2+s13], $0x20, s14, s13, $0xb8;
	[tilespmem:$0x19338] =	vst v63  }
0x1d: {  	s13 =	simm.s32 @p0 $0x2  }
0x1e: {  	_ =	swait.ge @p0 [sflag:s13], $0x17B00  }
0x1f: {  	[sflag:s13] =	ssyncset.done @p0 $0x0  }
0x20: {  	[sflag:s13] =	ssyncadd.s32 @p0 $0xFFFE8500;
	s13 =	simm.s32 @p0 $0xC38  }
0x21: {  	[hbm4b:s7+s12] =	stream.linear.scatter @p0 [tilespmem:s13], [sflag:$0x3], $0x17B00, $0x38;
	[tilespmem:$0x19338] =	vst v63  }
0x22: {  	s12 =	simm.s32 @p0 $0x3  }
0x23: {  	_ =	swait.ge @p0 [sflag:s12], $0x17B00  }
0x24: {  	s14 =	simm.s32 @!p0 $0x18C38;
	[sflag:s12] =	ssyncset.done @p0 $0x0  }
0x25: {  	s13 =	simm.s32 @!p0 $0xC00;
	[sflag:s12] =	ssyncadd.s32 @p0 $0xFFFE8500;
	s12 =	simm.s32 @!p0 $0x38  }
0x26: {  	[tilespmem:s14], [sflag:$0x2] =	stream.indirect.gather @!p0 [hbm4b:s2+s12], $0x20, s13, s12, $0xb8;
	[tilespmem:$0x19338] =	vst v63  }
0x27: {  	s12 =	simm.s32 @!p0 $0x2  }
0x28: {  	_ =	swait.ge @!p0 [sflag:s12], $0x18700  }
0x29: {  	s10 =	sadd.s32 $0x1, s10;
	[sflag:s12] =	ssyncset.done @!p0 $0x0  }
0x2a: {  	p1 =	sne.s32 s10, s8;
	[sflag:s12] =	ssyncadd.s32 @!p0 $0xFFFE7900;
	s12 =	simm.s32 @!p0 $0xC38  }
0x2b: {  	[hbm4b:s6+s11] =	stream.linear.scatter @!p0 [tilespmem:s12], [sflag:$0x3], $0x18700, $0x38;
	[tilespmem:$0x19338] =	vst v63  }
.Ltmp2:
0x2c: {  	_ = 	snop;
	(pc) =	sbr.rel @p1 .LBB2_1-.Ltmp2, $4  }
0x2d: {  	s11 =	simm.s32 @!p0 $0x3  }
0x2e: {  	_ =	swait.ge @!p0 [sflag:s11], $0x18700  }
0x2f: {  	[sflag:s11] =	ssyncset.done @!p0 $0x0  }
0x30: {  	[sflag:s11] =	ssyncadd.s32 @!p0 $0xFFFE7900  }
0x31: {  	_ =	sfence.sel $0x180000  }
0x32: {  	[bflag:$0x0] =	sbarrier.arrive $0xFFFF  }
0x33: {  	p0 =	sne.s32 s0, $0x0;
	_ =	strace $0x90000047  }
0x34: {  	s0 =	sadd.s32 @!p0 $0x100000, s1;
	[bflag:$0x2] =	sbarrier.arrive $0xFFFF  }
0x35: {  	[sflag:s0] =	ssyncadd.tile.s32 @!p0 $0x1;
	_ =	shalt  }
.Lfunc_end2:
_tile_overlayer_lowered:
.L_overlay_start_2:
0x36: {  	(tag) =	ssettag $0x2  }
0x37: {  	s0 =	rddreg [dreg:$0x0];
	s2 =	stileid.u32  }
0x38: {  	s1 =	rddreg [dreg:$0x1];
	p0 =	sne.s32 s2, $0x0  }
0x39: {  	s3 =	rddreg [dreg:$0x2];
	[bflag:$0x3] =	sbarrier.arrive $0xFFFF;
	s2 =	simm.s32 @!p0 $0x1C03  }
0x3a: {  	[timem:s3], [sflag:s2] =	dma.local @!p0 [hbm:s0], s1  }
0x3b: {  	s0 =	simm.s32 @!p0 $0x3  }
0x3c: {  	_ =	swait.ge @!p0 [sflag:s0], s1  }
0x3d: {  	s1 =	ssub.s32 @!p0 $0x0, s1;
	[sflag:s0] =	ssyncset.done @!p0 $0x0  }
0x3e: {  	[sflag:s0] =	ssyncadd.s32 @!p0 s1  }
0x3f: {  	[bflag:$0x3] =	sbarrier.arrive $0xFFFF  }
0x40: {  	_ =	shalt  }

</sc_bundles>
